<compile_context>
chip_gen: v7x
topology: tpu7x:2x2x1
jax: 0.10.2.dev20260603
libtpu: 0.0.44.dev20260713+nightly
codegen_flags: <defaults>
</compile_context>

<pallas_src>
import functools

import jax
import jax.numpy as jnp
from jax import lax
from jax.experimental import pallas as pl
from jax.experimental.pallas import tpu as pltpu
from jax.experimental.pallas import tpu_sc as plsc

_B = 16384
_EMB = 128
_LAT = 64

_CHUNK = 256
_NBUF = 3
_WDELAY = 2


@functools.lru_cache(maxsize=None)
def _make_gather3():
    info = plsc.get_sparse_core_info()
    nc, ns = info.num_cores, info.num_subcores
    nw = nc * ns
    bpw = _B // nw
    nch = bpw // _CHUNK
    nunits = 3 * nch
    mesh = plsc.VectorSubcoreMesh(core_axis_name="c", subcore_axis_name="s")

    @functools.partial(
        pl.kernel,
        out_type=(jax.ShapeDtypeStruct((_B, _EMB), jnp.float32),) * 3,
        mesh=mesh,
        scratch_types=[pltpu.VMEM((_CHUNK,), jnp.int32)] * nunits
        + [pltpu.VMEM((_CHUNK, _EMB), jnp.float32)] * _NBUF
        + [pltpu.SemaphoreType.DMA] * (2 * _NBUF),
    )
    def _gather3(g_hbm, b_hbm, p_hbm, gt_hbm, bt_hbm, pt_hbm,
                 og_hbm, ob_hbm, op_hbm, *scr):
        idx_v = scr[:nunits]
        bufs = scr[nunits:nunits + _NBUF]
        gsems = scr[nunits + _NBUF:nunits + 2 * _NBUF]
        wsems = scr[nunits + 2 * _NBUF:]
        wid = lax.axis_index("s") * nc + lax.axis_index("c")
        base = wid * bpw
        idxs = (g_hbm, b_hbm, p_hbm)
        tbls = (gt_hbm, bt_hbm, pt_hbm)
        outs = (og_hbm, ob_hbm, op_hbm)
        units = [(t, c) for t in range(3) for c in range(nch)]
        icp = [pltpu.async_copy(idxs[t].at[pl.ds(base + c * _CHUNK, _CHUNK)],
                                idx_v[u], wsems[u % _NBUF])
               for u, (t, c) in enumerate(units)]
        for cp in icp:
            cp.wait()

        gcp = [None] * _NBUF
        wcp = [None] * _NBUF

        def write_unit(v):
            vb = v % _NBUF
            vt, vc = units[v]
            gcp[vb].wait()
            wcp[vb] = pltpu.async_copy(
                bufs[vb], outs[vt].at[pl.ds(base + vc * _CHUNK, _CHUNK)],
                wsems[vb])

        for u, (t, c) in enumerate(units):
            b = u % _NBUF
            if u >= _NBUF:
                wcp[b].wait()
            gcp[b] = pltpu.async_copy(tbls[t].at[idx_v[u]], bufs[b],
                                      gsems[b])
            if u >= _WDELAY:
                write_unit(u - _WDELAY)
        for v in range(nunits - _WDELAY, nunits):
            write_unit(v)
        for v in range(max(0, nunits - _NBUF), nunits):
            wcp[v % _NBUF].wait()

    return _gather3


_BS = 8192


def _proj_body(g_ref, b_ref, p_ref, wp_ref, bp_ref, wf_ref, bf_ref, o_ref):
    c = jnp.dot(g_ref[...], wp_ref[0:_EMB, :], preferred_element_type=jnp.float32)
    c += jnp.dot(b_ref[...], wp_ref[_EMB:2 * _EMB, :], preferred_element_type=jnp.float32)
    c += jnp.dot(p_ref[...], wp_ref[2 * _EMB:3 * _EMB, :], preferred_element_type=jnp.float32)
    c += bp_ref[...]
    o_ref[...] = jnp.dot(c, wf_ref[...], preferred_element_type=jnp.float32) + bf_ref[...]


def _project(g_embs, b_embs, p_embs, W_proj, b_proj, W_fc, b_fc):
    grid = (_B // _BS,)
    row_spec = pl.BlockSpec((_BS, _EMB), lambda i: (i, 0))
    full = lambda shape: pl.BlockSpec(shape, lambda i: (0,) * len(shape))
    return pl.pallas_call(
        _proj_body,
        grid=grid,
        in_specs=[
            row_spec, row_spec, row_spec,
            full((3 * _EMB, _EMB)),
            full((1, _EMB)),
            full((_EMB, _LAT)),
            full((1, _LAT)),
        ],
        out_specs=pl.BlockSpec((_BS, _LAT), lambda i: (i, 0)),
        out_shape=jax.ShapeDtypeStruct((_B, _LAT), jnp.float32),
    )(g_embs, b_embs, p_embs, W_proj, b_proj.reshape(1, _EMB),
      W_fc, b_fc.reshape(1, _LAT))


def kernel(gains, bws, pms, gain_table, bw_table, pm_table,
           W_proj, b_proj, W_fc, b_fc):
    gains = gains.astype(jnp.int32)
    bws = bws.astype(jnp.int32)
    pms = pms.astype(jnp.int32)
    g_embs, b_embs, p_embs = _make_gather3()(
        gains, bws, pms, gain_table, bw_table, pm_table)
    return _project(g_embs, b_embs, p_embs, W_proj, b_proj, W_fc, b_fc)

# --- scband reference (transcript-rebuilt; emitter-appended) ---
"""Pipeline reference for scband-spec-embedder-17867063951405 (READ-ONLY COPY).

The authoritative reference and input builder live on the scoring server;
editing this copy changes nothing except your own understanding.
"""

import jax, jax.numpy as jnp
import numpy as np

B = 16384
V_GAIN = 100000
V_BW = 100000
V_PM = 100000
EMB = 128
LAT = 64


def setup_inputs(seed: int = 0) -> dict:
    key = jax.random.key(seed)
    ks = jax.random.split(key, 10)
    gains = jax.random.randint(ks[0], (B,), 0, V_GAIN)
    bws = jax.random.randint(ks[1], (B,), 0, V_BW)
    pms = jax.random.randint(ks[2], (B,), 0, V_PM)
    gain_table = jax.random.normal(ks[3], (V_GAIN, EMB), dtype=jnp.float32) * 0.02
    bw_table = jax.random.normal(ks[4], (V_BW, EMB), dtype=jnp.float32) * 0.02
    pm_table = jax.random.normal(ks[5], (V_PM, EMB), dtype=jnp.float32) * 0.02
    W_proj = jax.random.normal(ks[6], (EMB * 3, EMB), dtype=jnp.float32) * 0.02
    b_proj = jnp.zeros((EMB,), dtype=jnp.float32)
    W_fc = jax.random.normal(ks[7], (EMB, LAT), dtype=jnp.float32) * 0.02
    b_fc = jnp.zeros((LAT,), dtype=jnp.float32)
    return {
        "gains": gains,
        "bws": bws,
        "pms": pms,
        "gain_table": gain_table,
        "bw_table": bw_table,
        "pm_table": pm_table,
        "W_proj": W_proj,
        "b_proj": b_proj,
        "W_fc": W_fc,
        "b_fc": b_fc,
    }


def reference(gains, bws, pms, gain_table, bw_table, pm_table, W_proj, b_proj, W_fc, b_fc):
    gain_embs = jnp.take(gain_table, gains, axis=0)
    bw_embs = jnp.take(bw_table, bws, axis=0)
    pm_embs = jnp.take(pm_table, pms, axis=0)
    conditions = jnp.concatenate([gain_embs, bw_embs, pm_embs], axis=-1)
    conditions = conditions @ W_proj + b_proj
    spec_embs = conditions @ W_fc + b_fc
    return spec_embs

if __name__ == "__main__":
    import jax
    _d = setup_inputs()
    print(jax.jit(kernel)(*tuple(_d.values())))

</pallas_src>

<mosaic_0001>
#map = affine_map<(d0, d1) -> (0)>
#map1 = affine_map<(d0, d1) -> (0, 0)>
module attributes {stable_mosaic.version = 14 : i64} {
  func.func @_gather3(%arg0: i32, %arg1: i32, %arg2: memref<16384xi32, #tpu.memory_space<hbm>>, %arg3: memref<16384xi32, #tpu.memory_space<hbm>>, %arg4: memref<16384xi32, #tpu.memory_space<hbm>>, %arg5: memref<100000x128xf32, #tpu.memory_space<hbm>>, %arg6: memref<100000x128xf32, #tpu.memory_space<hbm>>, %arg7: memref<100000x128xf32, #tpu.memory_space<hbm>>, %arg8: memref<16384x128xf32, #tpu.memory_space<hbm>>, %arg9: memref<16384x128xf32, #tpu.memory_space<hbm>>, %arg10: memref<16384x128xf32, #tpu.memory_space<hbm>>, %arg11: memref<256xi32, #tpu.memory_space<vmem>>, %arg12: memref<256xi32, #tpu.memory_space<vmem>>, %arg13: memref<256xi32, #tpu.memory_space<vmem>>, %arg14: memref<256xi32, #tpu.memory_space<vmem>>, %arg15: memref<256xi32, #tpu.memory_space<vmem>>, %arg16: memref<256xi32, #tpu.memory_space<vmem>>, %arg17: memref<256x128xf32, #tpu.memory_space<vmem>>, %arg18: memref<256x128xf32, #tpu.memory_space<vmem>>, %arg19: memref<256x128xf32, #tpu.memory_space<vmem>>, %arg20: memref<!tpu.dma_semaphore, #tpu.memory_space<semaphore_mem>>, %arg21: memref<!tpu.dma_semaphore, #tpu.memory_space<semaphore_mem>>, %arg22: memref<!tpu.dma_semaphore, #tpu.memory_space<semaphore_mem>>, %arg23: memref<!tpu.dma_semaphore, #tpu.memory_space<semaphore_mem>>, %arg24: memref<!tpu.dma_semaphore, #tpu.memory_space<semaphore_mem>>, %arg25: memref<!tpu.dma_semaphore, #tpu.memory_space<semaphore_mem>>) attributes {dimension_semantics = [#tpu.dimension_semantics<core_parallel>, #tpu.dimension_semantics<subcore_parallel>], iteration_bounds = array<i64: 2, 16>, scalar_prefetch = 0 : i64, scratch_operands = 15 : i64, tpu.core_type = #tpu.core_type<sc_vector_subcore>, window_params = [{transform_indices = #map}, {transform_indices = #map}, {transform_indices = #map}, {transform_indices = #map1}, {transform_indices = #map1}, {transform_indices = #map1}, {transform_indices = #map1}, {transform_indices = #map1}, {transform_indices = #map1}]} {
    %mul3A = arith.constant 2 : i32
    %mul3A_0 = arith.muli %arg1, %mul3A : i32
    %add3A = arith.addi %mul3A_0, %arg0 : i32
    %mul3A_1 = arith.constant 512 : i32
    %mul3A_2 = arith.muli %add3A, %mul3A_1 : i32
    %add3A_3 = arith.constant 0 : i32
    %add3A_4 = arith.addi %mul3A_2, %add3A_3 : i32
    %dma_start3A = tpu.memref_slice %arg2[%add3A_4] : memref<16384xi32, #tpu.memory_space<hbm>> -> memref<256xi32, #tpu.memory_space<hbm>>
    %dma_start3A_5 = tpu.memref_slice %arg2[%add3A_4] : memref<16384xi32, #tpu.memory_space<hbm>> -> memref<256xi32, #tpu.memory_space<hbm>>
    tpu.enqueue_dma source(%dma_start3A_5 : memref<256xi32, #tpu.memory_space<hbm>>) target(%arg11 : memref<256xi32, #tpu.memory_space<vmem>>) target_semaphore(%arg23 : memref<!tpu.dma_semaphore, #tpu.memory_space<semaphore_mem>>)
    %add3A_6 = arith.constant 256 : i32
    %add3A_7 = arith.addi %mul3A_2, %add3A_6 : i32
    %dma_start3A_8 = tpu.memref_slice %arg2[%add3A_7] : memref<16384xi32, #tpu.memory_space<hbm>> -> memref<256xi32, #tpu.memory_space<hbm>>
    %dma_start3A_9 = tpu.memref_slice %arg2[%add3A_7] : memref<16384xi32, #tpu.memory_space<hbm>> -> memref<256xi32, #tpu.memory_space<hbm>>
    tpu.enqueue_dma source(%dma_start3A_9 : memref<256xi32, #tpu.memory_space<hbm>>) target(%arg12 : memref<256xi32, #tpu.memory_space<vmem>>) target_semaphore(%arg24 : memref<!tpu.dma_semaphore, #tpu.memory_space<semaphore_mem>>)
    %add3A_10 = arith.constant 0 : i32
    %add3A_11 = arith.addi %mul3A_2, %add3A_10 : i32
    %dma_start3A_12 = tpu.memref_slice %arg3[%add3A_11] : memref<16384xi32, #tpu.memory_space<hbm>> -> memref<256xi32, #tpu.memory_space<hbm>>
    %dma_start3A_13 = tpu.memref_slice %arg3[%add3A_11] : memref<16384xi32, #tpu.memory_space<hbm>> -> memref<256xi32, #tpu.memory_space<hbm>>
    tpu.enqueue_dma source(%dma_start3A_13 : memref<256xi32, #tpu.memory_space<hbm>>) target(%arg13 : memref<256xi32, #tpu.memory_space<vmem>>) target_semaphore(%arg25 : memref<!tpu.dma_semaphore, #tpu.memory_space<semaphore_mem>>)
    %add3A_14 = arith.constant 256 : i32
    %add3A_15 = arith.addi %mul3A_2, %add3A_14 : i32
    %dma_start3A_16 = tpu.memref_slice %arg3[%add3A_15] : memref<16384xi32, #tpu.memory_space<hbm>> -> memref<256xi32, #tpu.memory_space<hbm>>
    %dma_start3A_17 = tpu.memref_slice %arg3[%add3A_15] : memref<16384xi32, #tpu.memory_space<hbm>> -> memref<256xi32, #tpu.memory_space<hbm>>
    tpu.enqueue_dma source(%dma_start3A_17 : memref<256xi32, #tpu.memory_space<hbm>>) target(%arg14 : memref<256xi32, #tpu.memory_space<vmem>>) target_semaphore(%arg23 : memref<!tpu.dma_semaphore, #tpu.memory_space<semaphore_mem>>)
    %add3A_18 = arith.constant 0 : i32
    %add3A_19 = arith.addi %mul3A_2, %add3A_18 : i32
    %dma_start3A_20 = tpu.memref_slice %arg4[%add3A_19] : memref<16384xi32, #tpu.memory_space<hbm>> -> memref<256xi32, #tpu.memory_space<hbm>>
    %dma_start3A_21 = tpu.memref_slice %arg4[%add3A_19] : memref<16384xi32, #tpu.memory_space<hbm>> -> memref<256xi32, #tpu.memory_space<hbm>>
    tpu.enqueue_dma source(%dma_start3A_21 : memref<256xi32, #tpu.memory_space<hbm>>) target(%arg15 : memref<256xi32, #tpu.memory_space<vmem>>) target_semaphore(%arg24 : memref<!tpu.dma_semaphore, #tpu.memory_space<semaphore_mem>>)
    %add3A_22 = arith.constant 256 : i32
    %add3A_23 = arith.addi %mul3A_2, %add3A_22 : i32
    %dma_start3A_24 = tpu.memref_slice %arg4[%add3A_23] : memref<16384xi32, #tpu.memory_space<hbm>> -> memref<256xi32, #tpu.memory_space<hbm>>
    %dma_start3A_25 = tpu.memref_slice %arg4[%add3A_23] : memref<16384xi32, #tpu.memory_space<hbm>> -> memref<256xi32, #tpu.memory_space<hbm>>
    tpu.enqueue_dma source(%dma_start3A_25 : memref<256xi32, #tpu.memory_space<hbm>>) target(%arg16 : memref<256xi32, #tpu.memory_space<vmem>>) target_semaphore(%arg25 : memref<!tpu.dma_semaphore, #tpu.memory_space<semaphore_mem>>)
    %dma_wait3A = tpu.memref_slice %arg2[%add3A_4] : memref<16384xi32, #tpu.memory_space<hbm>> -> memref<256xi32, #tpu.memory_space<hbm>>
    %dma_wait3A_26 = tpu.memref_slice %arg2[%add3A_4] : memref<16384xi32, #tpu.memory_space<hbm>> -> memref<256xi32, #tpu.memory_space<hbm>>
    tpu.wait_dma2 semaphore(%arg23 : memref<!tpu.dma_semaphore, #tpu.memory_space<semaphore_mem>>) src(%dma_wait3A_26 : memref<256xi32, #tpu.memory_space<hbm>>) dst(%arg11 : memref<256xi32, #tpu.memory_space<vmem>>)
    %dma_wait3A_27 = tpu.memref_slice %arg2[%add3A_7] : memref<16384xi32, #tpu.memory_space<hbm>> -> memref<256xi32, #tpu.memory_space<hbm>>
    %dma_wait3A_28 = tpu.memref_slice %arg2[%add3A_7] : memref<16384xi32, #tpu.memory_space<hbm>> -> memref<256xi32, #tpu.memory_space<hbm>>
    tpu.wait_dma2 semaphore(%arg24 : memref<!tpu.dma_semaphore, #tpu.memory_space<semaphore_mem>>) src(%dma_wait3A_28 : memref<256xi32, #tpu.memory_space<hbm>>) dst(%arg12 : memref<256xi32, #tpu.memory_space<vmem>>)
    %dma_wait3A_29 = tpu.memref_slice %arg3[%add3A_11] : memref<16384xi32, #tpu.memory_space<hbm>> -> memref<256xi32, #tpu.memory_space<hbm>>
    %dma_wait3A_30 = tpu.memref_slice %arg3[%add3A_11] : memref<16384xi32, #tpu.memory_space<hbm>> -> memref<256xi32, #tpu.memory_space<hbm>>
    tpu.wait_dma2 semaphore(%arg25 : memref<!tpu.dma_semaphore, #tpu.memory_space<semaphore_mem>>) src(%dma_wait3A_30 : memref<256xi32, #tpu.memory_space<hbm>>) dst(%arg13 : memref<256xi32, #tpu.memory_space<vmem>>)
    %dma_wait3A_31 = tpu.memref_slice %arg3[%add3A_15] : memref<16384xi32, #tpu.memory_space<hbm>> -> memref<256xi32, #tpu.memory_space<hbm>>
    %dma_wait3A_32 = tpu.memref_slice %arg3[%add3A_15] : memref<16384xi32, #tpu.memory_space<hbm>> -> memref<256xi32, #tpu.memory_space<hbm>>
    tpu.wait_dma2 semaphore(%arg23 : memref<!tpu.dma_semaphore, #tpu.memory_space<semaphore_mem>>) src(%dma_wait3A_32 : memref<256xi32, #tpu.memory_space<hbm>>) dst(%arg14 : memref<256xi32, #tpu.memory_space<vmem>>)
    %dma_wait3A_33 = tpu.memref_slice %arg4[%add3A_19] : memref<16384xi32, #tpu.memory_space<hbm>> -> memref<256xi32, #tpu.memory_space<hbm>>
    %dma_wait3A_34 = tpu.memref_slice %arg4[%add3A_19] : memref<16384xi32, #tpu.memory_space<hbm>> -> memref<256xi32, #tpu.memory_space<hbm>>
    tpu.wait_dma2 semaphore(%arg24 : memref<!tpu.dma_semaphore, #tpu.memory_space<semaphore_mem>>) src(%dma_wait3A_34 : memref<256xi32, #tpu.memory_space<hbm>>) dst(%arg15 : memref<256xi32, #tpu.memory_space<vmem>>)
    %dma_wait3A_35 = tpu.memref_slice %arg4[%add3A_23] : memref<16384xi32, #tpu.memory_space<hbm>> -> memref<256xi32, #tpu.memory_space<hbm>>
    %dma_wait3A_36 = tpu.memref_slice %arg4[%add3A_23] : memref<16384xi32, #tpu.memory_space<hbm>> -> memref<256xi32, #tpu.memory_space<hbm>>
    tpu.wait_dma2 semaphore(%arg25 : memref<!tpu.dma_semaphore, #tpu.memory_space<semaphore_mem>>) src(%dma_wait3A_36 : memref<256xi32, #tpu.memory_space<hbm>>) dst(%arg16 : memref<256xi32, #tpu.memory_space<vmem>>)
    %dma_start3A_37 = arith.constant 0 : i32
    %dma_start3A_38 = arith.constant 0 : i32
    %dma_start3A_39 = tpu.memref_slice %arg5[%dma_start3A_37, %dma_start3A_38] : memref<100000x128xf32, #tpu.memory_space<hbm>> -> memref<100000x128xf32, #tpu.memory_space<hbm>>
    tpu.enqueue_indirect_dma source(%dma_start3A_39 : memref<100000x128xf32, #tpu.memory_space<hbm>>) target(%arg17 : memref<256x128xf32, #tpu.memory_space<vmem>>) offsets(%arg11 : memref<256xi32, #tpu.memory_space<vmem>>) semaphore(%arg20 : memref<!tpu.dma_semaphore, #tpu.memory_space<semaphore_mem>>)
    %dma_start3A_40 = arith.constant 0 : i32
    %dma_start3A_41 = arith.constant 0 : i32
    %dma_start3A_42 = tpu.memref_slice %arg5[%dma_start3A_40, %dma_start3A_41] : memref<100000x128xf32, #tpu.memory_space<hbm>> -> memref<100000x128xf32, #tpu.memory_space<hbm>>
    tpu.enqueue_indirect_dma source(%dma_start3A_42 : memref<100000x128xf32, #tpu.memory_space<hbm>>) target(%arg18 : memref<256x128xf32, #tpu.memory_space<vmem>>) offsets(%arg12 : memref<256xi32, #tpu.memory_space<vmem>>) semaphore(%arg21 : memref<!tpu.dma_semaphore, #tpu.memory_space<semaphore_mem>>)
    %dma_start3A_43 = arith.constant 0 : i32
    %dma_start3A_44 = arith.constant 0 : i32
    %dma_start3A_45 = tpu.memref_slice %arg6[%dma_start3A_43, %dma_start3A_44] : memref<100000x128xf32, #tpu.memory_space<hbm>> -> memref<100000x128xf32, #tpu.memory_space<hbm>>
    tpu.enqueue_indirect_dma source(%dma_start3A_45 : memref<100000x128xf32, #tpu.memory_space<hbm>>) target(%arg19 : memref<256x128xf32, #tpu.memory_space<vmem>>) offsets(%arg13 : memref<256xi32, #tpu.memory_space<vmem>>) semaphore(%arg22 : memref<!tpu.dma_semaphore, #tpu.memory_space<semaphore_mem>>)
    %dma_wait3A_46 = arith.constant 0 : i32
    %dma_wait3A_47 = arith.constant 0 : i32
    %dma_wait3A_48 = tpu.memref_slice %arg5[%dma_wait3A_46, %dma_wait3A_47] : memref<100000x128xf32, #tpu.memory_space<hbm>> -> memref<100000x128xf32, #tpu.memory_space<hbm>>
    tpu.wait_indirect_dma semaphore(%arg20 : memref<!tpu.dma_semaphore, #tpu.memory_space<semaphore_mem>>) src(%dma_wait3A_48 : memref<100000x128xf32, #tpu.memory_space<hbm>>) dst(%arg17 : memref<256x128xf32, #tpu.memory_space<vmem>>)
    %add3A_49 = arith.constant 0 : i32
    %add3A_50 = arith.addi %mul3A_2, %add3A_49 : i32
    %dma_start3A_51 = arith.constant 0 : i32
    %dma_start3A_52 = tpu.memref_slice %arg8[%add3A_50, %dma_start3A_51] : memref<16384x128xf32, #tpu.memory_space<hbm>> -> memref<256x128xf32, #tpu.memory_space<hbm>>
    %dma_start3A_53 = arith.constant 0 : i32
    %dma_start3A_54 = tpu.memref_slice %arg8[%add3A_50, %dma_start3A_53] : memref<16384x128xf32, #tpu.memory_space<hbm>> -> memref<256x128xf32, #tpu.memory_space<hbm>>
    tpu.enqueue_dma source(%arg17 : memref<256x128xf32, #tpu.memory_space<vmem>>) target(%dma_start3A_54 : memref<256x128xf32, #tpu.memory_space<hbm>>) target_semaphore(%arg23 : memref<!tpu.dma_semaphore, #tpu.memory_space<semaphore_mem>>)
    %dma_wait3A_55 = arith.constant 0 : i32
    %dma_wait3A_56 = tpu.memref_slice %arg8[%add3A_50, %dma_wait3A_55] : memref<16384x128xf32, #tpu.memory_space<hbm>> -> memref<256x128xf32, #tpu.memory_space<hbm>>
    %dma_wait3A_57 = arith.constant 0 : i32
    %dma_wait3A_58 = tpu.memref_slice %arg8[%add3A_50, %dma_wait3A_57] : memref<16384x128xf32, #tpu.memory_space<hbm>> -> memref<256x128xf32, #tpu.memory_space<hbm>>
    tpu.wait_dma2 semaphore(%arg23 : memref<!tpu.dma_semaphore, #tpu.memory_space<semaphore_mem>>) src(%arg17 : memref<256x128xf32, #tpu.memory_space<vmem>>) dst(%dma_wait3A_58 : memref<256x128xf32, #tpu.memory_space<hbm>>)
    %dma_start3A_59 = arith.constant 0 : i32
    %dma_start3A_60 = arith.constant 0 : i32
    %dma_start3A_61 = tpu.memref_slice %arg6[%dma_start3A_59, %dma_start3A_60] : memref<100000x128xf32, #tpu.memory_space<hbm>> -> memref<100000x128xf32, #tpu.memory_space<hbm>>
    tpu.enqueue_indirect_dma source(%dma_start3A_61 : memref<100000x128xf32, #tpu.memory_space<hbm>>) target(%arg17 : memref<256x128xf32, #tpu.memory_space<vmem>>) offsets(%arg14 : memref<256xi32, #tpu.memory_space<vmem>>) semaphore(%arg20 : memref<!tpu.dma_semaphore, #tpu.memory_space<semaphore_mem>>)
    %dma_wait3A_62 = arith.constant 0 : i32
    %dma_wait3A_63 = arith.constant 0 : i32
    %dma_wait3A_64 = tpu.memref_slice %arg5[%dma_wait3A_62, %dma_wait3A_63] : memref<100000x128xf32, #tpu.memory_space<hbm>> -> memref<100000x128xf32, #tpu.memory_space<hbm>>
    tpu.wait_indirect_dma semaphore(%arg21 : memref<!tpu.dma_semaphore, #tpu.memory_space<semaphore_mem>>) src(%dma_wait3A_64 : memref<100000x128xf32, #tpu.memory_space<hbm>>) dst(%arg18 : memref<256x128xf32, #tpu.memory_space<vmem>>)
    %add3A_65 = arith.constant 256 : i32
    %add3A_66 = arith.addi %mul3A_2, %add3A_65 : i32
    %dma_start3A_67 = arith.constant 0 : i32
    %dma_start3A_68 = tpu.memref_slice %arg8[%add3A_66, %dma_start3A_67] : memref<16384x128xf32, #tpu.memory_space<hbm>> -> memref<256x128xf32, #tpu.memory_space<hbm>>
    %dma_start3A_69 = arith.constant 0 : i32
    %dma_start3A_70 = tpu.memref_slice %arg8[%add3A_66, %dma_start3A_69] : memref<16384x128xf32, #tpu.memory_space<hbm>> -> memref<256x128xf32, #tpu.memory_space<hbm>>
    tpu.enqueue_dma source(%arg18 : memref<256x128xf32, #tpu.memory_space<vmem>>) target(%dma_start3A_70 : memref<256x128xf32, #tpu.memory_space<hbm>>) target_semaphore(%arg24 : memref<!tpu.dma_semaphore, #tpu.memory_space<semaphore_mem>>)
    %dma_wait3A_71 = arith.constant 0 : i32
    %dma_wait3A_72 = tpu.memref_slice %arg8[%add3A_66, %dma_wait3A_71] : memref<16384x128xf32, #tpu.memory_space<hbm>> -> memref<256x128xf32, #tpu.memory_space<hbm>>
    %dma_wait3A_73 = arith.constant 0 : i32
    %dma_wait3A_74 = tpu.memref_slice %arg8[%add3A_66, %dma_wait3A_73] : memref<16384x128xf32, #tpu.memory_space<hbm>> -> memref<256x128xf32, #tpu.memory_space<hbm>>
    tpu.wait_dma2 semaphore(%arg24 : memref<!tpu.dma_semaphore, #tpu.memory_space<semaphore_mem>>) src(%arg18 : memref<256x128xf32, #tpu.memory_space<vmem>>) dst(%dma_wait3A_74 : memref<256x128xf32, #tpu.memory_space<hbm>>)
    %dma_start3A_75 = arith.constant 0 : i32
    %dma_start3A_76 = arith.constant 0 : i32
    %dma_start3A_77 = tpu.memref_slice %arg7[%dma_start3A_75, %dma_start3A_76] : memref<100000x128xf32, #tpu.memory_space<hbm>> -> memref<100000x128xf32, #tpu.memory_space<hbm>>
    tpu.enqueue_indirect_dma source(%dma_start3A_77 : memref<100000x128xf32, #tpu.memory_space<hbm>>) target(%arg18 : memref<256x128xf32, #tpu.memory_space<vmem>>) offsets(%arg15 : memref<256xi32, #tpu.memory_space<vmem>>) semaphore(%arg21 : memref<!tpu.dma_semaphore, #tpu.memory_space<semaphore_mem>>)
    %dma_wait3A_78 = arith.constant 0 : i32
    %dma_wait3A_79 = arith.constant 0 : i32
    %dma_wait3A_80 = tpu.memref_slice %arg6[%dma_wait3A_78, %dma_wait3A_79] : memref<100000x128xf32, #tpu.memory_space<hbm>> -> memref<100000x128xf32, #tpu.memory_space<hbm>>
    tpu.wait_indirect_dma semaphore(%arg22 : memref<!tpu.dma_semaphore, #tpu.memory_space<semaphore_mem>>) src(%dma_wait3A_80 : memref<100000x128xf32, #tpu.memory_space<hbm>>) dst(%arg19 : memref<256x128xf32, #tpu.memory_space<vmem>>)
    %add3A_81 = arith.constant 0 : i32
    %add3A_82 = arith.addi %mul3A_2, %add3A_81 : i32
    %dma_start3A_83 = arith.constant 0 : i32
    %dma_start3A_84 = tpu.memref_slice %arg9[%add3A_82, %dma_start3A_83] : memref<16384x128xf32, #tpu.memory_space<hbm>> -> memref<256x128xf32, #tpu.memory_space<hbm>>
    %dma_start3A_85 = arith.constant 0 : i32
    %dma_start3A_86 = tpu.memref_slice %arg9[%add3A_82, %dma_start3A_85] : memref<16384x128xf32, #tpu.memory_space<hbm>> -> memref<256x128xf32, #tpu.memory_space<hbm>>
    tpu.enqueue_dma source(%arg19 : memref<256x128xf32, #tpu.memory_space<vmem>>) target(%dma_start3A_86 : memref<256x128xf32, #tpu.memory_space<hbm>>) target_semaphore(%arg25 : memref<!tpu.dma_semaphore, #tpu.memory_space<semaphore_mem>>)
    %dma_wait3A_87 = arith.constant 0 : i32
    %dma_wait3A_88 = tpu.memref_slice %arg9[%add3A_82, %dma_wait3A_87] : memref<16384x128xf32, #tpu.memory_space<hbm>> -> memref<256x128xf32, #tpu.memory_space<hbm>>
    %dma_wait3A_89 = arith.constant 0 : i32
    %dma_wait3A_90 = tpu.memref_slice %arg9[%add3A_82, %dma_wait3A_89] : memref<16384x128xf32, #tpu.memory_space<hbm>> -> memref<256x128xf32, #tpu.memory_space<hbm>>
    tpu.wait_dma2 semaphore(%arg25 : memref<!tpu.dma_semaphore, #tpu.memory_space<semaphore_mem>>) src(%arg19 : memref<256x128xf32, #tpu.memory_space<vmem>>) dst(%dma_wait3A_90 : memref<256x128xf32, #tpu.memory_space<hbm>>)
    %dma_start3A_91 = arith.constant 0 : i32
    %dma_start3A_92 = arith.constant 0 : i32
    %dma_start3A_93 = tpu.memref_slice %arg7[%dma_start3A_91, %dma_start3A_92] : memref<100000x128xf32, #tpu.memory_space<hbm>> -> memref<100000x128xf32, #tpu.memory_space<hbm>>
    tpu.enqueue_indirect_dma source(%dma_start3A_93 : memref<100000x128xf32, #tpu.memory_space<hbm>>) target(%arg19 : memref<256x128xf32, #tpu.memory_space<vmem>>) offsets(%arg16 : memref<256xi32, #tpu.memory_space<vmem>>) semaphore(%arg22 : memref<!tpu.dma_semaphore, #tpu.memory_space<semaphore_mem>>)
    %dma_wait3A_94 = arith.constant 0 : i32
    %dma_wait3A_95 = arith.constant 0 : i32
    %dma_wait3A_96 = tpu.memref_slice %arg6[%dma_wait3A_94, %dma_wait3A_95] : memref<100000x128xf32, #tpu.memory_space<hbm>> -> memref<100000x128xf32, #tpu.memory_space<hbm>>
    tpu.wait_indirect_dma semaphore(%arg20 : memref<!tpu.dma_semaphore, #tpu.memory_space<semaphore_mem>>) src(%dma_wait3A_96 : memref<100000x128xf32, #tpu.memory_space<hbm>>) dst(%arg17 : memref<256x128xf32, #tpu.memory_space<vmem>>)
    %add3A_97 = arith.constant 256 : i32
    %add3A_98 = arith.addi %mul3A_2, %add3A_97 : i32
    %dma_start3A_99 = arith.constant 0 : i32
    %dma_start3A_100 = tpu.memref_slice %arg9[%add3A_98, %dma_start3A_99] : memref<16384x128xf32, #tpu.memory_space<hbm>> -> memref<256x128xf32, #tpu.memory_space<hbm>>
    %dma_start3A_101 = arith.constant 0 : i32
    %dma_start3A_102 = tpu.memref_slice %arg9[%add3A_98, %dma_start3A_101] : memref<16384x128xf32, #tpu.memory_space<hbm>> -> memref<256x128xf32, #tpu.memory_space<hbm>>
    tpu.enqueue_dma source(%arg17 : memref<256x128xf32, #tpu.memory_space<vmem>>) target(%dma_start3A_102 : memref<256x128xf32, #tpu.memory_space<hbm>>) target_semaphore(%arg23 : memref<!tpu.dma_semaphore, #tpu.memory_space<semaphore_mem>>)
    %dma_wait3A_103 = arith.constant 0 : i32
    %dma_wait3A_104 = arith.constant 0 : i32
    %dma_wait3A_105 = tpu.memref_slice %arg7[%dma_wait3A_103, %dma_wait3A_104] : memref<100000x128xf32, #tpu.memory_space<hbm>> -> memref<100000x128xf32, #tpu.memory_space<hbm>>
    tpu.wait_indirect_dma semaphore(%arg21 : memref<!tpu.dma_semaphore, #tpu.memory_space<semaphore_mem>>) src(%dma_wait3A_105 : memref<100000x128xf32, #tpu.memory_space<hbm>>) dst(%arg18 : memref<256x128xf32, #tpu.memory_space<vmem>>)
    %add3A_106 = arith.constant 0 : i32
    %add3A_107 = arith.addi %mul3A_2, %add3A_106 : i32
    %dma_start3A_108 = arith.constant 0 : i32
    %dma_start3A_109 = tpu.memref_slice %arg10[%add3A_107, %dma_start3A_108] : memref<16384x128xf32, #tpu.memory_space<hbm>> -> memref<256x128xf32, #tpu.memory_space<hbm>>
    %dma_start3A_110 = arith.constant 0 : i32
    %dma_start3A_111 = tpu.memref_slice %arg10[%add3A_107, %dma_start3A_110] : memref<16384x128xf32, #tpu.memory_space<hbm>> -> memref<256x128xf32, #tpu.memory_space<hbm>>
    tpu.enqueue_dma source(%arg18 : memref<256x128xf32, #tpu.memory_space<vmem>>) target(%dma_start3A_111 : memref<256x128xf32, #tpu.memory_space<hbm>>) target_semaphore(%arg24 : memref<!tpu.dma_semaphore, #tpu.memory_space<semaphore_mem>>)
    %dma_wait3A_112 = arith.constant 0 : i32
    %dma_wait3A_113 = arith.constant 0 : i32
    %dma_wait3A_114 = tpu.memref_slice %arg7[%dma_wait3A_112, %dma_wait3A_113] : memref<100000x128xf32, #tpu.memory_space<hbm>> -> memref<100000x128xf32, #tpu.memory_space<hbm>>
    tpu.wait_indirect_dma semaphore(%arg22 : memref<!tpu.dma_semaphore, #tpu.memory_space<semaphore_mem>>) src(%dma_wait3A_114 : memref<100000x128xf32, #tpu.memory_space<hbm>>) dst(%arg19 : memref<256x128xf32, #tpu.memory_space<vmem>>)
    %add3A_115 = arith.constant 256 : i32
    %add3A_116 = arith.addi %mul3A_2, %add3A_115 : i32
    %dma_start3A_117 = arith.constant 0 : i32
    %dma_start3A_118 = tpu.memref_slice %arg10[%add3A_116, %dma_start3A_117] : memref<16384x128xf32, #tpu.memory_space<hbm>> -> memref<256x128xf32, #tpu.memory_space<hbm>>
    %dma_start3A_119 = arith.constant 0 : i32
    %dma_start3A_120 = tpu.memref_slice %arg10[%add3A_116, %dma_start3A_119] : memref<16384x128xf32, #tpu.memory_space<hbm>> -> memref<256x128xf32, #tpu.memory_space<hbm>>
    tpu.enqueue_dma source(%arg19 : memref<256x128xf32, #tpu.memory_space<vmem>>) target(%dma_start3A_120 : memref<256x128xf32, #tpu.memory_space<hbm>>) target_semaphore(%arg25 : memref<!tpu.dma_semaphore, #tpu.memory_space<semaphore_mem>>)
    %dma_wait3A_121 = arith.constant 0 : i32
    %dma_wait3A_122 = tpu.memref_slice %arg9[%add3A_98, %dma_wait3A_121] : memref<16384x128xf32, #tpu.memory_space<hbm>> -> memref<256x128xf32, #tpu.memory_space<hbm>>
    %dma_wait3A_123 = arith.constant 0 : i32
    %dma_wait3A_124 = tpu.memref_slice %arg9[%add3A_98, %dma_wait3A_123] : memref<16384x128xf32, #tpu.memory_space<hbm>> -> memref<256x128xf32, #tpu.memory_space<hbm>>
    tpu.wait_dma2 semaphore(%arg23 : memref<!tpu.dma_semaphore, #tpu.memory_space<semaphore_mem>>) src(%arg17 : memref<256x128xf32, #tpu.memory_space<vmem>>) dst(%dma_wait3A_124 : memref<256x128xf32, #tpu.memory_space<hbm>>)
    %dma_wait3A_125 = arith.constant 0 : i32
    %dma_wait3A_126 = tpu.memref_slice %arg10[%add3A_107, %dma_wait3A_125] : memref<16384x128xf32, #tpu.memory_space<hbm>> -> memref<256x128xf32, #tpu.memory_space<hbm>>
    %dma_wait3A_127 = arith.constant 0 : i32
    %dma_wait3A_128 = tpu.memref_slice %arg10[%add3A_107, %dma_wait3A_127] : memref<16384x128xf32, #tpu.memory_space<hbm>> -> memref<256x128xf32, #tpu.memory_space<hbm>>
    tpu.wait_dma2 semaphore(%arg24 : memref<!tpu.dma_semaphore, #tpu.memory_space<semaphore_mem>>) src(%arg18 : memref<256x128xf32, #tpu.memory_space<vmem>>) dst(%dma_wait3A_128 : memref<256x128xf32, #tpu.memory_space<hbm>>)
    %dma_wait3A_129 = arith.constant 0 : i32
    %dma_wait3A_130 = tpu.memref_slice %arg10[%add3A_116, %dma_wait3A_129] : memref<16384x128xf32, #tpu.memory_space<hbm>> -> memref<256x128xf32, #tpu.memory_space<hbm>>
    %dma_wait3A_131 = arith.constant 0 : i32
    %dma_wait3A_132 = tpu.memref_slice %arg10[%add3A_116, %dma_wait3A_131] : memref<16384x128xf32, #tpu.memory_space<hbm>> -> memref<256x128xf32, #tpu.memory_space<hbm>>
    tpu.wait_dma2 semaphore(%arg25 : memref<!tpu.dma_semaphore, #tpu.memory_space<semaphore_mem>>) src(%arg19 : memref<256x128xf32, #tpu.memory_space<vmem>>) dst(%dma_wait3A_132 : memref<256x128xf32, #tpu.memory_space<hbm>>)
    return
  }
}

module attributes {stable_mosaic.version = 14 : i64} {
  func.func @_proj_body(%arg0: i32, %arg1: memref<8192x128xf32, #tpu.memory_space<vmem>>, %arg2: memref<8192x128xf32, #tpu.memory_space<vmem>>, %arg3: memref<8192x128xf32, #tpu.memory_space<vmem>>, %arg4: memref<384x128xf32, #tpu.memory_space<vmem>>, %arg5: memref<1x128xf32, #tpu.memory_space<vmem>>, %arg6: memref<128x64xf32, #tpu.memory_space<vmem>>, %arg7: memref<1x64xf32, #tpu.memory_space<vmem>>, %arg8: memref<8192x64xf32, #tpu.memory_space<vmem>>) attributes {dimension_semantics = [#tpu.dimension_semantics<arbitrary>], iteration_bounds = array<i64: 2>, scalar_prefetch = 0 : i64, scratch_operands = 0 : i64, tpu.core_type = #tpu.core_type<tc>, window_params = [{transform_indices = @transform_0, window_bounds = array<i64: 8192, 128>}, {transform_indices = @transform_1, window_bounds = array<i64: 8192, 128>}, {transform_indices = @transform_2, window_bounds = array<i64: 8192, 128>}, {pipeline_mode = #tpu.pipeline_mode<synchronous>, transform_indices = @transform_3, window_bounds = array<i64: 384, 128>}, {pipeline_mode = #tpu.pipeline_mode<synchronous>, transform_indices = @transform_4, window_bounds = array<i64: 1, 128>}, {pipeline_mode = #tpu.pipeline_mode<synchronous>, transform_indices = @transform_5, window_bounds = array<i64: 128, 64>}, {pipeline_mode = #tpu.pipeline_mode<synchronous>, transform_indices = @transform_6, window_bounds = array<i64: 1, 64>}, {transform_indices = @transform_7, window_bounds = array<i64: 8192, 64>}]} {
    %get3A = arith.constant 0 : index
    %get3A_0 = arith.constant 0 : index
    %get3A_1 = vector.load %arg1[%get3A, %get3A_0] : memref<8192x128xf32, #tpu.memory_space<vmem>>, vector<8192x128xf32>
    %get3A_2 = arith.constant 0 : index
    %get3A_3 = arith.constant 0 : index
    %get3A_4 = vector.load %arg4[%get3A_2, %get3A_3] : memref<384x128xf32, #tpu.memory_space<vmem>>, vector<128x128xf32>
    %dot_general3A = arith.constant dense<0.000000e+00> : vector<8192x128xf32>
    %dot_general3A_5 = tpu.matmul %get3A_1, %get3A_4, %dot_general3A {dimension_numbers = #tpu.dot_dimension_numbers<[1], [0], [0], [1], [0, 0, 1, 1], [], []>, transpose_lhs_hint = false} : vector<8192x128xf32>, vector<128x128xf32>, vector<8192x128xf32> -> vector<8192x128xf32>
    %get3A_6 = arith.constant 0 : index
    %get3A_7 = arith.constant 0 : index
    %get3A_8 = vector.load %arg2[%get3A_6, %get3A_7] : memref<8192x128xf32, #tpu.memory_space<vmem>>, vector<8192x128xf32>
    %get3A_9 = arith.constant 128 : index
    %get3A_10 = arith.constant 0 : index
    %get3A_11 = vector.load %arg4[%get3A_9, %get3A_10] : memref<384x128xf32, #tpu.memory_space<vmem>>, vector<128x128xf32>
    %dot_general3A_12 = arith.constant dense<0.000000e+00> : vector<8192x128xf32>
    %dot_general3A_13 = tpu.matmul %get3A_8, %get3A_11, %dot_general3A_12 {dimension_numbers = #tpu.dot_dimension_numbers<[1], [0], [0], [1], [0, 0, 1, 1], [], []>, transpose_lhs_hint = false} : vector<8192x128xf32>, vector<128x128xf32>, vector<8192x128xf32> -> vector<8192x128xf32>
    %add3A = arith.addf %dot_general3A_5, %dot_general3A_13 : vector<8192x128xf32>
    %get3A_14 = arith.constant 0 : index
    %get3A_15 = arith.constant 0 : index
    %get3A_16 = vector.load %arg3[%get3A_14, %get3A_15] : memref<8192x128xf32, #tpu.memory_space<vmem>>, vector<8192x128xf32>
    %get3A_17 = arith.constant 256 : index
    %get3A_18 = arith.constant 0 : index
    %get3A_19 = vector.load %arg4[%get3A_17, %get3A_18] : memref<384x128xf32, #tpu.memory_space<vmem>>, vector<128x128xf32>
    %dot_general3A_20 = arith.constant dense<0.000000e+00> : vector<8192x128xf32>
    %dot_general3A_21 = tpu.matmul %get3A_16, %get3A_19, %dot_general3A_20 {dimension_numbers = #tpu.dot_dimension_numbers<[1], [0], [0], [1], [0, 0, 1, 1], [], []>, transpose_lhs_hint = false} : vector<8192x128xf32>, vector<128x128xf32>, vector<8192x128xf32> -> vector<8192x128xf32>
    %add3A_22 = arith.addf %add3A, %dot_general3A_21 : vector<8192x128xf32>
    %get3A_23 = arith.constant 0 : index
    %get3A_24 = arith.constant 0 : index
    %get3A_25 = vector.load %arg5[%get3A_23, %get3A_24] : memref<1x128xf32, #tpu.memory_space<vmem>>, vector<1x128xf32>
    %add3A_26 = vector.broadcast %get3A_25 : vector<1x128xf32> to vector<8192x128xf32>
    %add3A_27 = arith.addf %add3A_22, %add3A_26 : vector<8192x128xf32>
    %get3A_28 = arith.constant 0 : index
    %get3A_29 = arith.constant 0 : index
    %get3A_30 = vector.load %arg6[%get3A_28, %get3A_29] : memref<128x64xf32, #tpu.memory_space<vmem>>, vector<128x64xf32>
    %dot_general3A_31 = arith.constant dense<0.000000e+00> : vector<8192x64xf32>
    %dot_general3A_32 = tpu.matmul %add3A_27, %get3A_30, %dot_general3A_31 {dimension_numbers = #tpu.dot_dimension_numbers<[1], [0], [0], [1], [0, 0, 1, 1], [], []>, transpose_lhs_hint = false} : vector<8192x128xf32>, vector<128x64xf32>, vector<8192x64xf32> -> vector<8192x64xf32>
    %get3A_33 = arith.constant 0 : index
    %get3A_34 = arith.constant 0 : index
    %get3A_35 = vector.load %arg7[%get3A_33, %get3A_34] : memref<1x64xf32, #tpu.memory_space<vmem>>, vector<1x64xf32>
    %add3A_36 = vector.broadcast %get3A_35 : vector<1x64xf32> to vector<8192x64xf32>
    %add3A_37 = arith.addf %dot_general3A_32, %add3A_36 : vector<8192x64xf32>
    %swap3A = arith.constant 0 : index
    %swap3A_38 = arith.constant 0 : index
    %swap3A_39 = vector.load %arg8[%swap3A, %swap3A_38] : memref<8192x64xf32, #tpu.memory_space<vmem>>, vector<8192x64xf32>
    tpu.vector_store %arg8[%swap3A, %swap3A_38], %add3A_37 {strides = array<i32>} : memref<8192x64xf32, #tpu.memory_space<vmem>>, vector<8192x64xf32>,
    return
  }
  func.func @transform_0(%arg0: i32) -> (i32, i32) {
    %c0_i32 = arith.constant 0 : i32
    %c0_i32_0 = arith.constant 0 : i32
    return %arg0, %c0_i32 : i32, i32
  }
  func.func @transform_1(%arg0: i32) -> (i32, i32) {
    %c0_i32 = arith.constant 0 : i32
    %c0_i32_0 = arith.constant 0 : i32
    return %arg0, %c0_i32 : i32, i32
  }
  func.func @transform_2(%arg0: i32) -> (i32, i32) {
    %c0_i32 = arith.constant 0 : i32
    %c0_i32_0 = arith.constant 0 : i32
    return %arg0, %c0_i32 : i32, i32
  }
  func.func @transform_3(%arg0: i32) -> (i32, i32) {
    %c0_i32 = arith.constant 0 : i32
    %c0_i32_0 = arith.constant 0 : i32
    %c0_i32_1 = arith.constant 0 : i32
    return %c0_i32, %c0_i32_0 : i32, i32
  }
  func.func @transform_4(%arg0: i32) -> (i32, i32) {
    %c0_i32 = arith.constant 0 : i32
    %c0_i32_0 = arith.constant 0 : i32
    %c0_i32_1 = arith.constant 0 : i32
    return %c0_i32, %c0_i32_0 : i32, i32
  }
  func.func @transform_5(%arg0: i32) -> (i32, i32) {
    %c0_i32 = arith.constant 0 : i32
    %c0_i32_0 = arith.constant 0 : i32
    %c0_i32_1 = arith.constant 0 : i32
    return %c0_i32, %c0_i32_0 : i32, i32
  }
  func.func @transform_6(%arg0: i32) -> (i32, i32) {
    %c0_i32 = arith.constant 0 : i32
    %c0_i32_0 = arith.constant 0 : i32
    %c0_i32_1 = arith.constant 0 : i32
    return %c0_i32, %c0_i32_0 : i32, i32
  }
  func.func @transform_7(%arg0: i32) -> (i32, i32) {
    %c0_i32 = arith.constant 0 : i32
    %c0_i32_0 = arith.constant 0 : i32
    return %arg0, %c0_i32 : i32, i32
  }
}

</mosaic_0001>

<sc_bundles>
// kernel: kernel.4.cloned.1.call-start
scs
__scs_entry_jumppad:
0x0: {  	(pc) =	sbr.rel $0x88, $3  }
0x1: {  	(tag) =	ssettag $0x0;
	lr =	simm.s32 $0x1  }
0x2: {  	[smem:$0x3F97] =	sst lr;
	_ =	strace $0xD0000000  }
0x3: {  	_ = 	snop  }
0x4: {  	_ = 	snop  }
0x5: {  	_ = 	snop  }
0x6: {  	_ = 	snop  }
0x7: {  	_ = 	snop  }
__scs_overlays_trampoline_lowered:
0x8: {  	[smem:$0x3FA6] =	sst s0  }
0x9: {  	[smem:$0x3FA7] =	sst s1  }
0xa: {  	[smem:$0x3FA8] =	sst s2  }
0xb: {  	[smem:$0x3FA9] =	sst s3  }
0xc: {  	[smem:$0x3FAA] =	sst s4  }
0xd: {  	[smem:$0x3FAB] =	sst s5  }
0xe: {  	[smem:$0x3FAC] =	sst s6  }
0xf: {  	[smem:$0x3FAD] =	sst s7  }
0x10: {  	[smem:$0x3FAE] =	sst s8  }
0x11: {  	[smem:$0x3FAF] =	sst s9;
	s0 =	simm.s32 @!p0 $0x0  }
0x12: {  	s1 =	sld [smem:$0x3F95];
	s0 =	simm.s32 @p0 $0x1  }
0x13: {  	[smem:$0x3FB0] =	sst s0;
	s0 =	simm.s32 @!p1 $0x0  }
0x14: {  	s2 =	sld [smem:$0x3F94];
	s0 =	simm.s32 @p1 $0x1  }
0x15: {  	[smem:$0x3FB1] =	sst s0;
	s0 =	simm.s32 @!p2 $0x0  }
0x16: {  	s3 =	sld [smem:$0x3FDB];
	s0 =	simm.s32 @p2 $0x1  }
0x17: {  	s4 =	simm.s32 $0x1BF5;
	[smem:$0x3FB3] =	sst s0  }
0x18: {  	s0 =	sld [smem:$0x3F96];
	_ =	swait.ge [sflag:s4], $0x0  }
0x19: {  	s7 =	sld [smem:$0x3F97]  }
0x1a: {  	s8 =	sadd.s32 $0xFFFFE003, lr  }
0x1b: {  	s9 =	sadd.s32 $0xFFFFFEF7, lr;
	s5 =	simm.s32 $0xFFFFFFFF;
	p2 =	slt.u32 s8, $0xFFFFF086  }
0x1c: {  	p1 =	slt.u32 s9, $0xF7A;
	s5 =	simm.s32 @!p2 $0x0  }
0x1d: {  	s5 =	simm.s32 @p1 $0x1;
	p0 =	seq.s32 s7, s2  }
0x1e: {  	s7 =	smul.u32 @!p0 $0xF7A, s2;
	p2 =	seq.s32 @!p0 s5, $0x0  }
0x1f: {  	s9 =	smul.u32 $0xF7A, s1;
	s8 =	simm.s32 @!p0 $0x1BF5;
	p2 =	por !p2, p0  }
0x20: {  	[sflag:s8] =	ssyncset.s32 @!p0 $0xFFFFF086;
	s6 =	sadd.s32 @!p0 s3, s7;
	s7 =	simm.s32 @!p0 $0x108  }
0x21: {  	s3 =	sadd.s32 s3, s9;
	s6 =	sadd.s32 @!p0 $0x88, s6;
	s7 =	simm.s32 @p2 $0x1082  }
0x22: {  	[simem:s7], [sflag:s8] =	dma.local @!p0 [hbm:s6], $0xF7A  }
0x23: {  	s9 =	sor.u32 $0xD0000000, s2;
	s6 =	simm.s32 $0x108;
	_ =	swait.ge @!p0 [sflag:s8], $0x0  }
0x24: {  	s3 =	sadd.s32 $0x88, s3;
	s6 =	simm.s32 @!p1 $0x1082;
	[sflag:s4] =	ssyncset.s32 $0xFFFFF086  }
0x25: {  	[simem:s6], [sflag:s4] =	dma.local [hbm:s3], $0xF7A  }
0x26: {  	[smem:$0x3F97] =	sst s1;
	(tag) =	ssettag s2;
	_ =	strace s9  }
0x27: {  	s1 =	sld [smem:$0x3FA7]  }
0x28: {  	s2 =	sld [smem:$0x3FA8]  }
0x29: {  	s4 =	sld [smem:$0x3FAA]  }
0x2a: {  	p0 =	seq.s32 s5, $0x0;
	s5 =	sld [smem:$0x3FAB]  }
0x2b: {  	s6 =	sld [smem:$0x3FAC]  }
0x2c: {  	s7 =	sld [smem:$0x3FAD]  }
0x2d: {  	s3 =	simm.s32 $0x108;
	s8 =	sld [smem:$0x3FAE]  }
0x2e: {  	s3 =	simm.s32 @!p0 $0x1082;
	s9 =	sld [smem:$0x3FAF]  }
0x2f: {  	lr =	sadd.s32 s0, s3;
	s0 =	sld [smem:$0x3FA6]  }
0x30: {  	s3 =	sld [smem:$0x3FA9]  }
0x31: {  	[smem:$0x3FB2] =	sst s10  }
0x32: {  	s10 =	sld [smem:$0x3FB0];
	_ =	sdelay $0x3  }
0x33: {  	p0 =	seq.s32 s10, $0x1;
	s10 =	sld [smem:$0x3FB2];
	_ =	sdelay $0x3  }
0x34: {  	[smem:$0x3FB2] =	sst s10  }
0x35: {  	s10 =	sld [smem:$0x3FB1];
	_ =	sdelay $0x3  }
0x36: {  	p1 =	seq.s32 s10, $0x1;
	s10 =	sld [smem:$0x3FB2];
	_ =	sdelay $0x3  }
0x37: {  	[smem:$0x3FB2] =	sst s10  }
0x38: {  	s10 =	sld [smem:$0x3FB3]  }
0x39: {  	_ = 	snop;
	(pc) =	sbr.ind lr, $3  }
0x3a: {  	_ = 	snop  }
0x3b: {  	_ = 	snop  }
0x3c: {  	p2 =	seq.s32 s10, $0x1;
	s10 =	sld [smem:$0x3FB2]  }
0x3d: {  	_ =	shalt  }
0x3e: {  	_ =	shalt  }
0x3f: {  	_ =	shalt  }
0x40: {  	_ =	shalt  }
0x41: {  	_ =	shalt  }
0x42: {  	_ =	shalt  }
0x43: {  	_ =	shalt  }
0x44: {  	_ =	shalt  }
0x45: {  	_ =	shalt  }
0x46: {  	_ =	shalt  }
0x47: {  	_ =	shalt  }
0x48: {  	_ =	shalt  }
0x49: {  	_ =	shalt  }
0x4a: {  	_ =	shalt  }
0x4b: {  	_ =	shalt  }
0x4c: {  	_ =	shalt  }
0x4d: {  	_ =	shalt  }
0x4e: {  	_ =	shalt  }
0x4f: {  	_ =	shalt  }
0x50: {  	_ =	shalt  }
0x51: {  	_ =	shalt  }
0x52: {  	_ =	shalt  }
0x53: {  	_ =	shalt  }
0x54: {  	_ =	shalt  }
0x55: {  	_ =	shalt  }
0x56: {  	_ =	shalt  }
0x57: {  	_ =	shalt  }
0x58: {  	_ =	shalt  }
0x59: {  	_ =	shalt  }
0x5a: {  	_ =	shalt  }
0x5b: {  	_ =	shalt  }
0x5c: {  	_ =	shalt  }
0x5d: {  	_ =	shalt  }
0x5e: {  	_ =	shalt  }
0x5f: {  	_ =	shalt  }
0x60: {  	_ =	shalt  }
0x61: {  	_ =	shalt  }
0x62: {  	_ =	shalt  }
0x63: {  	_ =	shalt  }
0x64: {  	_ =	shalt  }
0x65: {  	_ =	shalt  }
0x66: {  	_ =	shalt  }
0x67: {  	_ =	shalt  }
0x68: {  	_ =	shalt  }
0x69: {  	_ =	shalt  }
0x6a: {  	_ =	shalt  }
0x6b: {  	_ =	shalt  }
0x6c: {  	_ =	shalt  }
0x6d: {  	_ =	shalt  }
0x6e: {  	_ =	shalt  }
0x6f: {  	_ =	shalt  }
0x70: {  	_ =	shalt  }
0x71: {  	_ =	shalt  }
0x72: {  	_ =	shalt  }
0x73: {  	_ =	shalt  }
0x74: {  	_ =	shalt  }
0x75: {  	_ =	shalt  }
0x76: {  	_ =	shalt  }
0x77: {  	_ =	shalt  }
0x78: {  	_ =	shalt  }
0x79: {  	_ =	shalt  }
0x7a: {  	_ =	shalt  }
0x7b: {  	_ =	shalt  }
0x7c: {  	_ =	shalt  }
0x7d: {  	_ =	shalt  }
0x7e: {  	_ =	shalt  }
0x7f: {  	_ =	shalt  }
0x80: {  	_ =	shalt  }
0x81: {  	_ =	shalt  }
0x82: {  	_ =	shalt  }
0x83: {  	_ =	shalt  }
0x84: {  	_ =	shalt  }
0x85: {  	_ =	shalt  }
0x86: {  	_ =	shalt  }
0x87: {  	_ =	shalt  }
.Lfunc_end0:
.L_simem_size_0:
called_computation_lowered:
.L_overlay_start_0:
0x88: {  	s2 =	sld [smem:$0x3FD9]  }
0x89: {  	s3 =	sld [smem:$0x3FFE];
	_ =	sdelay $0x1  }
0x8a: {  	s1 =	srdreg.scid  }
0x8b: {  	s0 =	sand.u32 $0x1, s1  }
0x8c: {  	s17 =	sshll.u32 s0, $0xA;
	s2 =	sadd.s32 s3, s2  }
0x8d: {  	s2 =	sadd.s32 s2, s17  }
0x8e: {  	[smem:$0x3FBE] =	sst s2  }
0x8f: {  	_ = 	snop  }
0x90: {  	s2 =	sld [smem:$0x3FC9]  }
0x91: {  	s18 =	sld [smem:$0x3FC8]  }
0x92: {  	s4 =	sld [smem:$0x3FC7]  }
0x93: {  	s5 =	sld [smem:$0x3FC6]  }
0x94: {  	s6 =	sld [smem:$0x3FC5]  }
0x95: {  	s7 =	sld [smem:$0x3FC4];
	(tm) =	ssettm $0x1  }
0x96: {  	s8 =	sld [smem:$0x3FFB];
	_ =	sdelay $0x3  }
0x97: {  	_ =	strace s8  }
0x98: {  	s8 =	sld [smem:$0x3FFC];
	_ =	sdelay $0x3  }
0x99: {  	_ =	strace s8  }
0x9a: {  	s8 =	sld [smem:$0x3FFD];
	_ =	sdelay $0x3  }
0x9b: {  	_ =	strace s8  }
0x9c: {  	_ =	strace $0x8FFFFFFF  }
0x9d: {  	s19 =	sld [smem:$0x3FDB];
	_ =	sdelay $0x1  }
0x9e: {  	s9 =	simm.s32 $_scs_section_size  }
0x9f: {  	s10 =	simm.s32 $_size__tile_overlayer_lowered;
	s11 =	simm.s32 $_tile_overlayer_lowered  }
0xa0: {  	s22 =	simm.s32 $0x1BFF;
	s21 =	sshll.u32 s11, $0x1;
	s8 =	sadd.s32 s9, s19  }
0xa1: {  	s12 =	simm.s32 $0x0;
	s20 =	sshll.u32 s10, $0x1;
	s10 =	sadd.s32 s21, s8  }
0xa2: {  	[timem:s12], [sflag:s22] =	dma.local [hbm:s10], s20  }
0xa3: {  	_ =	swait.ge [sflag:s22], s20  }
0xa4: {  	s9 =	ssub.s32 $0x0, s20;
	[sflag:s22] =	ssyncset.done $0x0  }
0xa5: {  	[sflag:s22] =	ssyncadd.s32 s9;
	_ =	sdelay $0x1  }
0xa6: {  	s23 =	simm.s32 $0x1B8B  }
0xa7: {  	_ =	swait.ge [sflag:s23], $0x1  }
0xa8: {  	[sflag:s23] =	ssyncset.done $0x0  }
0xa9: {  	s25 =	simm.s32 $0x1B8E;
	s24 =	sld [smem:$0x3FFE];
	[sflag:s23] =	ssyncadd.s32 $0xFFFFFFFF  }
0xaa: {  	s26 =	simm.s32 $execute0_lowered;
	[smem:$0x3FD2] =	sst s25  }
0xab: {  	s10 =	sshll.u32 s26, $0x1;
	_ =	strace $0x80000046;
	[dreg:$0x1] =	wrdreg $0xFFFFFFFF  }
0xac: {  	s28 =	simm.s32 $_size_execute0_lowered;
	s8 =	sadd.s32 s8, s10;
	[dreg:$0x0] =	wrdreg $0x0  }
0xad: {  	s10 =	sshll.u32 s28, $0x1;
	[dreg:$0x2] =	wrdreg s8  }
0xae: {  	[dreg:$0x3] =	wrdreg s10  }
0xaf: {  	[dreg:$0x4] =	wrdreg $0xC0  }
0xb0: {  	_ =	task [dreg:s12], $0x5FFFF  }
0xb1: {  	[dreg:$0x1] =	wrdreg $0xFFFFFFFF  }
0xb2: {  	[dreg:$0x0] =	wrdreg $0x60  }
0xb3: {  	[dreg:$0x2] =	wrdreg s2  }
0xb4: {  	[dreg:$0x3] =	wrdreg s18  }
0xb5: {  	[dreg:$0x4] =	wrdreg s4  }
0xb6: {  	[dreg:$0x5] =	wrdreg s5  }
0xb7: {  	[dreg:$0x6] =	wrdreg s6  }
0xb8: {  	[dreg:$0x7] =	wrdreg s7  }
0xb9: {  	[dreg:$0x8] =	wrdreg s24  }
0xba: {  	[dreg:$0x9] =	wrdreg $0x9  }
0xbb: {  	_ =	task.clear_ibuf [dreg:s12], $0xAFFFF;
	_ =	strace $0x90000046  }
0xbc: {  	s29 =	simm.s32 $0x9;
	_ =	strace $0x80000048  }
0xbd: {  	_ =	swait.ge [sflag:s29], $0x1  }
0xbe: {  	[sflag:s29] =	ssyncadd.s32 $0xFFFFFFFF  }
0xbf: {  	_ =	strace $0x90000048  }
0xc0: {  	_ =	sfence  }
0xc1: {  	s30 =	sld [smem:$0x0];
	_ =	sdelay $0x2  }
0xc2: {  	s31 =	sshll.u32 s1, $0xD;
	s1 =	sshrl.u32 s1, $0x2  }
0xc3: {  	s3 =	sand.u32 $0x4000, s31;
	s1 =	sadd.s32 s1, s30  }
0xc4: {  	s0 =	sor.u32 s3, s0;
	s1 =	sshll.u32 s1, $0x11  }
0xc5: {  	s0 =	sor.u32 s1, s0  }
0xc6: {  	s0 =	sadd.s32 $0x8F2B, s0  }
0xc7: {  	[sflag:s0] =	ssyncadd.remote.s32 $0x1  }
0xc8: {  	_ =	sfence.sel $0xFFFF  }
0xc9: {  	[dreg:$0x0] =	wrdreg $0xFFFFFFFF;
	(pc) =	sbr.abs _section_cstart, $3  }
0xca: {  	[dreg:$0x1] =	wrdreg $0xFFFFFFFF  }
0xcb: {  	_ =	task.clear_ibuf [dreg:s12], $0x2FFFF;
	_ =	strace $0x9FFFFFFF  }
0xcc: {  	(tm) =	ssettm $0x7FFFFFFF  }
0xcd: {  	_ =	shalt  }
tec
execute0_lowered:
.L_overlay_start_1:
0x0: {  	(tag) =	ssettag $0x1  }
0x1: {  	s6 =	rddreg [dreg:$0x0]  }
0x2: {  	s10 =	rddreg [dreg:$0x1]  }
0x3: {  	s14 =	rddreg [dreg:$0x2]  }
0x4: {  	s1 =	rddreg [dreg:$0x3];
	s2 =	srdreg.scid  }
0x5: {  	s3 =	rddreg [dreg:$0x4];
	s0 =	stileid.u32;
	s2 =	sand.u32 $0x1, s2  }
0x6: {  	s4 =	rddreg [dreg:$0x5];
	s7 =	sshll.u32 s0, $0xA;
	s8 =	sshll.u32 s2, $0x9  }
0x7: {  	s30 =	rddreg [dreg:$0x6];
	s5 =	simm.s32 $0x0;
	s23 =	sor.u32 s8, s7  }
0x8: {  	[smem:$0x7FF] =	sst s5;
	s12 =	sshrl.u32 s23, $0x3  }
0x9: {  	[dreg:$0x9] =	wrdreg s2;
	s0 =	sadd.s32 s6, s12  }
0xa: {  	_ =	strace $0x80000047;
	s25 =	sor.u32 $0x100, s23;
	[dreg:$0x8] =	wrdreg s0  }
0xb: {  	s15 =	sshrl.u32 s25, $0x3;
	s7 =	rddreg [dreg:$0x8]  }
0xc: {  	[tilespmem:s5], [sflag:$0x4] =	stream.linear.gather [hbm4b:s7+s5], $0x100, $0x38;
	[tilespmem:$0x18600] =	vst v63  }
0xd: {  	s6 =	sadd.s32 s6, s15;
	s7 =	simm.s32 $0x100  }
0xe: {  	[tilespmem:s7], [sflag:$0x5] =	stream.linear.gather [hbm4b:s6+s5], $0x100, $0x38;
	[tilespmem:$0x18600] =	vst v63  }
0xf: {  	s9 =	simm.s32 $0x200;
	s8 =	sadd.s32 s10, s12  }
0x10: {  	[tilespmem:s9], [sflag:$0x6] =	stream.linear.gather [hbm4b:s8+s5], $0x100, $0x38;
	[tilespmem:$0x18600] =	vst v63  }
0x11: {  	s11 =	simm.s32 $0x300;
	s10 =	sadd.s32 s10, s15  }
0x12: {  	[tilespmem:s11], [sflag:$0x4] =	stream.linear.gather [hbm4b:s10+s5], $0x100, $0x38;
	[tilespmem:$0x18600] =	vst v63  }
0x13: {  	s13 =	simm.s32 $0x400;
	s12 =	sadd.s32 s14, s12  }
0x14: {  	[tilespmem:s13], [sflag:$0x5] =	stream.linear.gather [hbm4b:s12+s5], $0x100, $0x38;
	[tilespmem:$0x18600] =	vst v63  }
0x15: {  	s16 =	simm.s32 $0x4;
	s14 =	sadd.s32 s14, s15;
	s15 =	simm.s32 $0x500  }
0x16: {  	[tilespmem:s15], [sflag:$0x6] =	stream.linear.gather [hbm4b:s14+s5], $0x100, $0x38;
	[tilespmem:$0x18600] =	vst v63  }
0x17: {  	_ =	swait.ge [sflag:s16], $0x100  }
0x18: {  	[sflag:s16] =	ssyncset.done $0x0  }
0x19: {  	s17 =	simm.s32 $0x5;
	[sflag:s16] =	ssyncadd.s32 $0xFFFFFF00  }
0x1a: {  	_ =	swait.ge [sflag:s17], $0x100  }
0x1b: {  	[sflag:s17] =	ssyncset.done $0x0  }
0x1c: {  	s18 =	simm.s32 $0x6;
	[sflag:s17] =	ssyncadd.s32 $0xFFFFFF00  }
0x1d: {  	_ =	swait.ge [sflag:s18], $0x100  }
0x1e: {  	[sflag:s18] =	ssyncset.done $0x0  }
0x1f: {  	[sflag:s18] =	ssyncadd.s32 $0xFFFFFF00  }
0x20: {  	_ =	swait.ge [sflag:s16], $0x100  }
0x21: {  	[sflag:s16] =	ssyncset.done $0x0  }
0x22: {  	[sflag:s16] =	ssyncadd.s32 $0xFFFFFF00  }
0x23: {  	_ =	swait.ge [sflag:s17], $0x100  }
0x24: {  	[sflag:s17] =	ssyncset.done $0x0  }
0x25: {  	[sflag:s17] =	ssyncadd.s32 $0xFFFFFF00  }
0x26: {  	_ =	swait.ge [sflag:s18], $0x100  }
0x27: {  	[sflag:s18] =	ssyncset.done $0x0  }
0x28: {  	s19 =	simm.s32 $0x600;
	[sflag:s18] =	ssyncadd.s32 $0xFFFFFF00  }
0x29: {  	[tilespmem:s19], [sflag:$0x1] =	stream.indirect.gather [hbm4b:s1+s7], $0x80, s5, s7, $0xb8;
	[tilespmem:$0x18600] =	vst v63  }
0x2a: {  	s20 =	simm.s32 $0x8600  }
0x2b: {  	[tilespmem:s20], [sflag:$0x2] =	stream.indirect.gather [hbm4b:s1+s7], $0x80, s7, s7, $0xb8;
	[tilespmem:$0x18600] =	vst v63  }
0x2c: {  	s21 =	simm.s32 $0x10600;
	s22 =	simm.s32 $0x1  }
0x2d: {  	[tilespmem:s21], [sflag:$0x3] =	stream.indirect.gather [hbm4b:s3+s7], $0x80, s9, s7, $0xb8;
	[tilespmem:$0x18600] =	vst v63  }
0x2e: {  	_ =	swait.ge [sflag:s22], $0x8000  }
0x2f: {  	s26 =	sadd.s32 $0x1200, s30;
	s31 =	sshll.u32 s23, $0x4;
	[sflag:s22] =	ssyncset.done $0x0  }
0x30: {  	s23 =	sadd.s32 s26, s31;
	[sflag:s22] =	ssyncadd.s32 $0xFFFF8000  }
0x31: {  	[hbm4b:s23+s5] =	stream.linear.scatter [tilespmem:s19], [sflag:$0x4], $0x8000, $0x38;
	[tilespmem:$0x18600] =	vst v63  }
0x32: {  	_ =	swait.ge [sflag:s16], $0x8000  }
0x33: {  	[sflag:s16] =	ssyncset.done $0x0  }
0x34: {  	s24 =	simm.s32 $0x2;
	[sflag:s16] =	ssyncadd.s32 $0xFFFF8000  }
0x35: {  	[tilespmem:s19], [sflag:$0x1] =	stream.indirect.gather [hbm4b:s3+s7], $0x80, s11, s7, $0xb8;
	[tilespmem:$0x18600] =	vst v63  }
0x36: {  	_ =	swait.ge [sflag:s24], $0x8000  }
0x37: {  	s2 =	sshll.u32 s25, $0x4;
	[sflag:s24] =	ssyncset.done $0x0  }
0x38: {  	s25 =	sadd.s32 s26, s2;
	[sflag:s24] =	ssyncadd.s32 $0xFFFF8000  }
0x39: {  	[hbm4b:s25+s5] =	stream.linear.scatter [tilespmem:s20], [sflag:$0x5], $0x8000, $0x38;
	[tilespmem:$0x18600] =	vst v63  }
0x3a: {  	_ =	swait.ge [sflag:s17], $0x8000  }
0x3b: {  	[sflag:s17] =	ssyncset.done $0x0  }
0x3c: {  	s26 =	simm.s32 $0x3;
	[sflag:s17] =	ssyncadd.s32 $0xFFFF8000  }
0x3d: {  	[tilespmem:s20], [sflag:$0x2] =	stream.indirect.gather [hbm4b:s4+s7], $0x80, s13, s7, $0xb8;
	[tilespmem:$0x18600] =	vst v63  }
0x3e: {  	_ =	swait.ge [sflag:s26], $0x8000  }
0x3f: {  	s29 =	sadd.s32 $0x41200, s30;
	[sflag:s26] =	ssyncset.done $0x0  }
0x40: {  	s28 =	sadd.s32 s29, s31;
	[sflag:s26] =	ssyncadd.s32 $0xFFFF8000  }
0x41: {  	[hbm4b:s28+s5] =	stream.linear.scatter [tilespmem:s21], [sflag:$0x6], $0x8000, $0x38;
	[tilespmem:$0x18600] =	vst v63  }
0x42: {  	_ =	swait.ge [sflag:s18], $0x8000  }
0x43: {  	[sflag:s18] =	ssyncset.done $0x0  }
0x44: {  	[sflag:s18] =	ssyncadd.s32 $0xFFFF8000  }
0x45: {  	[tilespmem:s21], [sflag:$0x3] =	stream.indirect.gather [hbm4b:s4+s7], $0x80, s15, s7, $0xb8;
	[tilespmem:$0x18600] =	vst v63  }
0x46: {  	_ =	swait.ge [sflag:s22], $0x8000  }
0x47: {  	[sflag:s22] =	ssyncset.done $0x0  }
0x48: {  	s29 =	sadd.s32 s29, s2;
	[sflag:s22] =	ssyncadd.s32 $0xFFFF8000  }
0x49: {  	[hbm4b:s29+s5] =	stream.linear.scatter [tilespmem:s19], [sflag:$0x4], $0x8000, $0x38;
	[tilespmem:$0x18600] =	vst v63  }
0x4a: {  	_ =	swait.ge [sflag:s24], $0x8000  }
0x4b: {  	s0 =	sadd.s32 $0x81200, s30;
	[sflag:s24] =	ssyncset.done $0x0  }
0x4c: {  	s30 =	sadd.s32 s0, s31;
	[sflag:s24] =	ssyncadd.s32 $0xFFFF8000  }
0x4d: {  	[hbm4b:s30+s5] =	stream.linear.scatter [tilespmem:s20], [sflag:$0x5], $0x8000, $0x38;
	[tilespmem:$0x18600] =	vst v63  }
0x4e: {  	_ =	swait.ge [sflag:s26], $0x8000  }
0x4f: {  	[sflag:s26] =	ssyncset.done $0x0  }
0x50: {  	s31 =	sadd.s32 s0, s2;
	[sflag:s26] =	ssyncadd.s32 $0xFFFF8000  }
0x51: {  	[hbm4b:s31+s5] =	stream.linear.scatter [tilespmem:s21], [sflag:$0x6], $0x8000, $0x38;
	[tilespmem:$0x18600] =	vst v63  }
0x52: {  	_ =	swait.ge [sflag:s16], $0x8000  }
0x53: {  	s2 =	rddreg [dreg:$0x9]  }
0x54: {  	s0 =	ssub.s32 $0x2, s2  }
0x55: {  	s2 =	sshrl.u32 s0, $0x1  }
0x56: {  	s0 =	ssub.s32 s0, s2  }
0x57: {  	s0 =	smax.u32 s0, $0x1  }
0x58: {  	[sflag:s16] =	ssyncset.done $0x0;
	p0 =	sne.s32 s0, $0x1  }
.Ltmp0:
0x59: {  	[sflag:s16] =	ssyncadd.s32 $0xFFFF8000;
	(pc) =	sbr.rel @!p0 .LBB2_2-.Ltmp0, $4  }
0x5a: {  	_ =	swait.ge [sflag:s17], $0x8000  }
0x5b: {  	[sflag:s17] =	ssyncset.done $0x0  }
0x5c: {  	[sflag:s17] =	ssyncadd.s32 $0xFFFF8000  }
0x5d: {  	s2 =	sadd.s32 $0xFFFFFFFF, s0;
	_ =	swait.ge [sflag:s18], $0x8000  }
.LBB2_1:
0x5e: {  	[sflag:s18] =	ssyncset.done $0x0  }
0x5f: {  	s0 =	rddreg [dreg:$0x8];
	[sflag:s18] =	ssyncadd.s32 $0xFFFF8000  }
0x60: {  	[tilespmem:s5], [sflag:$0x4] =	stream.linear.gather [hbm4b:s0+s5], $0x100, $0x38;
	[tilespmem:$0x18600] =	vst v63  }
0x61: {  	_ = 	snop  }
0x62: {  	[tilespmem:s7], [sflag:$0x5] =	stream.linear.gather [hbm4b:s6+s5], $0x100, $0x38;
	[tilespmem:$0x18600] =	vst v63  }
0x63: {  	_ = 	snop  }
0x64: {  	[tilespmem:s9], [sflag:$0x6] =	stream.linear.gather [hbm4b:s8+s5], $0x100, $0x38;
	[tilespmem:$0x18600] =	vst v63  }
0x65: {  	_ = 	snop  }
0x66: {  	[tilespmem:s11], [sflag:$0x4] =	stream.linear.gather [hbm4b:s10+s5], $0x100, $0x38;
	[tilespmem:$0x18600] =	vst v63  }
0x67: {  	_ = 	snop  }
0x68: {  	[tilespmem:s13], [sflag:$0x5] =	stream.linear.gather [hbm4b:s12+s5], $0x100, $0x38;
	[tilespmem:$0x18600] =	vst v63  }
0x69: {  	_ = 	snop  }
0x6a: {  	[tilespmem:s15], [sflag:$0x6] =	stream.linear.gather [hbm4b:s14+s5], $0x100, $0x38;
	[tilespmem:$0x18600] =	vst v63  }
0x6b: {  	_ =	swait.ge [sflag:s16], $0x100  }
0x6c: {  	[sflag:s16] =	ssyncset.done $0x0  }
0x6d: {  	[sflag:s16] =	ssyncadd.s32 $0xFFFFFF00  }
0x6e: {  	_ =	swait.ge [sflag:s17], $0x100  }
0x6f: {  	[sflag:s17] =	ssyncset.done $0x0  }
0x70: {  	[sflag:s17] =	ssyncadd.s32 $0xFFFFFF00  }
0x71: {  	_ =	swait.ge [sflag:s18], $0x100  }
0x72: {  	[sflag:s18] =	ssyncset.done $0x0  }
0x73: {  	[sflag:s18] =	ssyncadd.s32 $0xFFFFFF00  }
0x74: {  	_ =	swait.ge [sflag:s16], $0x100  }
0x75: {  	[sflag:s16] =	ssyncset.done $0x0  }
0x76: {  	[sflag:s16] =	ssyncadd.s32 $0xFFFFFF00  }
0x77: {  	_ =	swait.ge [sflag:s17], $0x100  }
0x78: {  	[sflag:s17] =	ssyncset.done $0x0  }
0x79: {  	[sflag:s17] =	ssyncadd.s32 $0xFFFFFF00  }
0x7a: {  	_ =	swait.ge [sflag:s18], $0x100  }
0x7b: {  	[sflag:s18] =	ssyncset.done $0x0  }
0x7c: {  	[sflag:s18] =	ssyncadd.s32 $0xFFFFFF00  }
0x7d: {  	[tilespmem:s19], [sflag:$0x1] =	stream.indirect.gather [hbm4b:s1+s7], $0x80, s5, s7, $0xb8;
	[tilespmem:$0x18600] =	vst v63  }
0x7e: {  	_ = 	snop  }
0x7f: {  	[tilespmem:s20], [sflag:$0x2] =	stream.indirect.gather [hbm4b:s1+s7], $0x80, s7, s7, $0xb8;
	[tilespmem:$0x18600] =	vst v63  }
0x80: {  	_ = 	snop  }
0x81: {  	[tilespmem:s21], [sflag:$0x3] =	stream.indirect.gather [hbm4b:s3+s7], $0x80, s9, s7, $0xb8;
	[tilespmem:$0x18600] =	vst v63  }
0x82: {  	_ =	swait.ge [sflag:s22], $0x8000  }
0x83: {  	[sflag:s22] =	ssyncset.done $0x0  }
0x84: {  	[sflag:s22] =	ssyncadd.s32 $0xFFFF8000  }
0x85: {  	[hbm4b:s23+s5] =	stream.linear.scatter [tilespmem:s19], [sflag:$0x4], $0x8000, $0x38;
	[tilespmem:$0x18600] =	vst v63  }
0x86: {  	_ =	swait.ge [sflag:s16], $0x8000  }
0x87: {  	[sflag:s16] =	ssyncset.done $0x0  }
0x88: {  	[sflag:s16] =	ssyncadd.s32 $0xFFFF8000  }
0x89: {  	[tilespmem:s19], [sflag:$0x1] =	stream.indirect.gather [hbm4b:s3+s7], $0x80, s11, s7, $0xb8;
	[tilespmem:$0x18600] =	vst v63  }
0x8a: {  	_ =	swait.ge [sflag:s24], $0x8000  }
0x8b: {  	[sflag:s24] =	ssyncset.done $0x0  }
0x8c: {  	[sflag:s24] =	ssyncadd.s32 $0xFFFF8000  }
0x8d: {  	[hbm4b:s25+s5] =	stream.linear.scatter [tilespmem:s20], [sflag:$0x5], $0x8000, $0x38;
	[tilespmem:$0x18600] =	vst v63  }
0x8e: {  	_ =	swait.ge [sflag:s17], $0x8000  }
0x8f: {  	[sflag:s17] =	ssyncset.done $0x0  }
0x90: {  	[sflag:s17] =	ssyncadd.s32 $0xFFFF8000  }
0x91: {  	[tilespmem:s20], [sflag:$0x2] =	stream.indirect.gather [hbm4b:s4+s7], $0x80, s13, s7, $0xb8;
	[tilespmem:$0x18600] =	vst v63  }
0x92: {  	_ =	swait.ge [sflag:s26], $0x8000  }
0x93: {  	[sflag:s26] =	ssyncset.done $0x0  }
0x94: {  	[sflag:s26] =	ssyncadd.s32 $0xFFFF8000  }
0x95: {  	[hbm4b:s28+s5] =	stream.linear.scatter [tilespmem:s21], [sflag:$0x6], $0x8000, $0x38;
	[tilespmem:$0x18600] =	vst v63  }
0x96: {  	_ =	swait.ge [sflag:s18], $0x8000  }
0x97: {  	[sflag:s18] =	ssyncset.done $0x0  }
0x98: {  	[sflag:s18] =	ssyncadd.s32 $0xFFFF8000  }
0x99: {  	[tilespmem:s21], [sflag:$0x3] =	stream.indirect.gather [hbm4b:s4+s7], $0x80, s15, s7, $0xb8;
	[tilespmem:$0x18600] =	vst v63  }
0x9a: {  	_ =	swait.ge [sflag:s22], $0x8000  }
0x9b: {  	[sflag:s22] =	ssyncset.done $0x0  }
0x9c: {  	[sflag:s22] =	ssyncadd.s32 $0xFFFF8000  }
0x9d: {  	[hbm4b:s29+s5] =	stream.linear.scatter [tilespmem:s19], [sflag:$0x4], $0x8000, $0x38;
	[tilespmem:$0x18600] =	vst v63  }
0x9e: {  	_ =	swait.ge [sflag:s24], $0x8000  }
0x9f: {  	[sflag:s24] =	ssyncset.done $0x0  }
0xa0: {  	[sflag:s24] =	ssyncadd.s32 $0xFFFF8000  }
0xa1: {  	[hbm4b:s30+s5] =	stream.linear.scatter [tilespmem:s20], [sflag:$0x5], $0x8000, $0x38;
	[tilespmem:$0x18600] =	vst v63  }
0xa2: {  	_ =	swait.ge [sflag:s26], $0x8000  }
0xa3: {  	[sflag:s26] =	ssyncset.done $0x0  }
0xa4: {  	[sflag:s26] =	ssyncadd.s32 $0xFFFF8000  }
0xa5: {  	[hbm4b:s31+s5] =	stream.linear.scatter [tilespmem:s21], [sflag:$0x6], $0x8000, $0x38;
	[tilespmem:$0x18600] =	vst v63  }
0xa6: {  	_ =	swait.ge [sflag:s16], $0x8000  }
0xa7: {  	p0 =	sne.s32 s2, $0x1;
	[sflag:s16] =	ssyncset.done $0x0  }
.Ltmp1:
0xa8: {  	[sflag:s16] =	ssyncadd.s32 $0xFFFF8000;
	(pc) =	sbr.rel @p0 .LBB2_1-.Ltmp1, $4  }
0xa9: {  	_ =	swait.ge [sflag:s17], $0x8000  }
0xaa: {  	[sflag:s17] =	ssyncset.done $0x0  }
0xab: {  	[sflag:s17] =	ssyncadd.s32 $0xFFFF8000  }
0xac: {  	s2 =	sadd.s32 $0xFFFFFFFF, s2;
	_ =	swait.ge [sflag:s18], $0x8000  }
.LBB2_2:
0xad: {  	[sflag:s18] =	ssyncset.done $0x0  }
0xae: {  	[sflag:s18] =	ssyncadd.s32 $0xFFFF8000  }
0xaf: {  	_ =	sfence.sel $0x180000  }
0xb0: {  	[bflag:$0x0] =	sbarrier.arrive $0xFFFF  }
0xb1: {  	_ =	strace $0x90000047  }
0xb2: {  	s0 =	stileid.u32;
	[bflag:$0x2] =	sbarrier.arrive $0xFFFF  }
0xb3: {  	p0 =	sne.s32 s0, $0x0;
	s0 =	rddreg [dreg:$0x7]  }
0xb4: {  	s0 =	sadd.s32 @!p0 $0x100000, s0  }
0xb5: {  	[sflag:s0] =	ssyncadd.tile.s32 @!p0 $0x1;
	_ =	shalt  }
.Lfunc_end2:
_tile_overlayer_lowered:
.L_overlay_start_2:
0xb6: {  	(tag) =	ssettag $0x2  }
0xb7: {  	s0 =	rddreg [dreg:$0x0];
	s2 =	stileid.u32  }
0xb8: {  	s1 =	rddreg [dreg:$0x1];
	p0 =	sne.s32 s2, $0x0  }
0xb9: {  	s3 =	rddreg [dreg:$0x2];
	[bflag:$0x3] =	sbarrier.arrive $0xFFFF;
	s2 =	simm.s32 @!p0 $0x1C07  }
0xba: {  	[timem:s3], [sflag:s2] =	dma.local @!p0 [hbm:s0], s1  }
0xbb: {  	s0 =	simm.s32 @!p0 $0x7  }
0xbc: {  	_ =	swait.ge @!p0 [sflag:s0], s1  }
0xbd: {  	s1 =	ssub.s32 @!p0 $0x0, s1;
	[sflag:s0] =	ssyncset.done @!p0 $0x0  }
0xbe: {  	[sflag:s0] =	ssyncadd.s32 @!p0 s1  }
0xbf: {  	[bflag:$0x3] =	sbarrier.arrive $0xFFFF  }
0xc0: {  	_ =	shalt  }

</sc_bundles>
